<compile_context>
chip_gen: v7x
topology: tpu7x:2x2x1
jax: 0.10.2.dev20260603
libtpu: 0.0.44.dev20260713+nightly
codegen_flags: <defaults>
</compile_context>

<pallas_src>
import functools

import jax
import jax.numpy as jnp
from jax import lax
from jax.experimental import pallas as pl
from jax.experimental.pallas import tpu as pltpu
from jax.experimental.pallas import tpu_sc as plsc

DIM = 2048
N_EXPERTS = 8
BLOCK_N = 1024

NC = 2
NS = 16
L = 16


def _scores_block(x_ref, wt_ref, s_ref):
    scores = jnp.dot(x_ref[...], wt_ref[...], preferred_element_type=jnp.float32)
    st = scores.T
    m = jnp.max(st, axis=0, keepdims=True)
    e = jnp.exp(st - m)
    s_ref[...] = e / jnp.sum(e, axis=0, keepdims=True)


def _scores_tc(x, wt):
    n_tokens = x.shape[0]
    grid = (n_tokens // BLOCK_N,)
    return pl.pallas_call(
        _scores_block,
        grid=grid,
        in_specs=[
            pl.BlockSpec((BLOCK_N, DIM), lambda i: (i, 0)),
            pl.BlockSpec((DIM, N_EXPERTS), lambda i: (0, 0)),
        ],
        out_specs=pl.BlockSpec((N_EXPERTS, BLOCK_N), lambda i: (0, i)),
        out_shape=jax.ShapeDtypeStruct((N_EXPERTS, n_tokens), jnp.float32),
    )(x, wt)


def _route_sc(scores_t, n_tokens):
    nw = NC * NS
    b = n_tokens // nw
    mesh = plsc.VectorSubcoreMesh(core_axis_name="c", subcore_axis_name="s")

    @functools.partial(
        pl.kernel,
        mesh=mesh,
        out_type=[
            jax.ShapeDtypeStruct((2, n_tokens), jnp.float32),
            jax.ShapeDtypeStruct((2, n_tokens), jnp.int32),
        ],
        scratch_types=(
            [pltpu.VMEM((b,), jnp.float32) for _ in range(N_EXPERTS)]
            + [pltpu.VMEM((b,), jnp.float32) for _ in range(2)]
            + [pltpu.VMEM((b,), jnp.int32) for _ in range(2)]
            + [pltpu.SemaphoreType.DMA, pltpu.SemaphoreType.DMA]
        ),
    )
    def route(scores_hbm, w_hbm, i_hbm, *scratch):
        s_v = scratch[:N_EXPERTS]
        w1_v, w2_v = scratch[N_EXPERTS], scratch[N_EXPERTS + 1]
        i1_v, i2_v = scratch[N_EXPERTS + 2], scratch[N_EXPERTS + 3]
        in_sem, out_sem = scratch[N_EXPERTS + 4], scratch[N_EXPERTS + 5]
        wid = lax.axis_index("s") * NC + lax.axis_index("c")
        base = wid * b
        copies = [
            pltpu.make_async_copy(scores_hbm.at[e, pl.ds(base, b)], s_v[e], in_sem)
            for e in range(N_EXPERTS)
        ]
        for c in copies:
            c.start()
        for c in copies:
            c.wait()

        def chunk(c, carry):
            off = c * L
            p = [s_v[e][pl.ds(off, L)] for e in range(N_EXPERTS)]
            w1 = p[0]
            i1 = jnp.zeros((L,), jnp.int32)
            w2 = jnp.full((L,), -1.0, jnp.float32)
            i2 = jnp.full((L,), N_EXPERTS, jnp.int32)
            for e in range(1, N_EXPERTS):
                ei = jnp.full((L,), e, jnp.int32)
                c1 = p[e] > w1
                c2 = p[e] > w2
                w2 = jnp.where(c1, w1, jnp.where(c2, p[e], w2))
                i2 = jnp.where(c1, i1, jnp.where(c2, ei, i2))
                w1 = jnp.where(c1, p[e], w1)
                i1 = jnp.where(c1, ei, i1)
            w1_v[pl.ds(off, L)] = w1
            w2_v[pl.ds(off, L)] = w2
            i1_v[pl.ds(off, L)] = i1
            i2_v[pl.ds(off, L)] = i2
            return carry

        lax.fori_loop(0, b // L, chunk, 0)
        outs = [
            pltpu.make_async_copy(w1_v, w_hbm.at[0, pl.ds(base, b)], out_sem),
            pltpu.make_async_copy(w2_v, w_hbm.at[1, pl.ds(base, b)], out_sem),
            pltpu.make_async_copy(i1_v, i_hbm.at[0, pl.ds(base, b)], out_sem),
            pltpu.make_async_copy(i2_v, i_hbm.at[1, pl.ds(base, b)], out_sem),
        ]
        for c in outs:
            c.start()
        for c in outs:
            c.wait()

    return route(scores_t)


@jax.jit
def kernel(x, W):
    n_tokens = x.shape[0]
    wt = W.T
    scores_t = _scores_tc(x, wt)
    w_t, i_t = _route_sc(scores_t, n_tokens)
    return w_t.T, i_t.T

# --- scband reference (transcript-rebuilt; emitter-appended) ---
"""Pipeline reference for scband-gate-25537875542561 (READ-ONLY COPY).

The authoritative reference and input builder live on the scoring server;
editing this copy changes nothing except your own understanding.
"""

import jax, jax.numpy as jnp
import numpy as np

DIM = 2048
N_EXPERTS = 8
TOPK = 2
ROUTE_SCALE = 1.0
N_TOKENS = 32768


def setup_inputs(seed: int = 0) -> dict:
    key = jax.random.key(seed)
    kx, kw = jax.random.split(key)
    x = jax.random.normal(kx, (N_TOKENS, DIM), dtype=jnp.float32)
    W = jax.random.normal(kw, (N_EXPERTS, DIM), dtype=jnp.float32) * 0.02
    return {"x": x, "W": W}


def reference(x, W):
    # scores = linear(x, weight)
    scores = x @ W.T
    # score_func == 'softmax'
    scores = jax.nn.softmax(scores.astype(jnp.float32), axis=-1)
    original_scores = scores
    # bias is None (dim != 7168); n_groups == 1 so no group masking
    _, indices = jax.lax.top_k(scores, TOPK)
    weights = jnp.take_along_axis(original_scores, indices, axis=1)
    weights = weights * ROUTE_SCALE
    return weights.astype(x.dtype), indices

if __name__ == "__main__":
    import jax
    _d = setup_inputs()
    print(jax.jit(kernel)(*tuple(_d.values())))

</pallas_src>

<mosaic_0001>
#map = affine_map<(d0, d1) -> (0, 0)>
module attributes {stable_mosaic.version = 14 : i64} {
  func.func @route(%arg0: i32, %arg1: i32, %arg2: memref<8x32768xf32, #tpu.memory_space<hbm>>, %arg3: memref<2x32768xf32, #tpu.memory_space<hbm>>, %arg4: memref<2x32768xi32, #tpu.memory_space<hbm>>, %arg5: memref<1024xf32, #tpu.memory_space<vmem>>, %arg6: memref<1024xf32, #tpu.memory_space<vmem>>, %arg7: memref<1024xf32, #tpu.memory_space<vmem>>, %arg8: memref<1024xf32, #tpu.memory_space<vmem>>, %arg9: memref<1024xf32, #tpu.memory_space<vmem>>, %arg10: memref<1024xf32, #tpu.memory_space<vmem>>, %arg11: memref<1024xf32, #tpu.memory_space<vmem>>, %arg12: memref<1024xf32, #tpu.memory_space<vmem>>, %arg13: memref<1024xf32, #tpu.memory_space<vmem>>, %arg14: memref<1024xf32, #tpu.memory_space<vmem>>, %arg15: memref<1024xi32, #tpu.memory_space<vmem>>, %arg16: memref<1024xi32, #tpu.memory_space<vmem>>, %arg17: memref<!tpu.dma_semaphore, #tpu.memory_space<semaphore_mem>>, %arg18: memref<!tpu.dma_semaphore, #tpu.memory_space<semaphore_mem>>) attributes {dimension_semantics = [#tpu.dimension_semantics<core_parallel>, #tpu.dimension_semantics<subcore_parallel>], iteration_bounds = array<i64: 2, 16>, scalar_prefetch = 0 : i64, scratch_operands = 14 : i64, tpu.core_type = #tpu.core_type<sc_vector_subcore>, window_params = [{transform_indices = #map}, {transform_indices = #map}, {transform_indices = #map}]} {
    %mul3A = arith.constant 2 : i32
    %mul3A_0 = arith.muli %arg1, %mul3A : i32
    %add3A = arith.addi %mul3A_0, %arg0 : i32
    %mul3A_1 = arith.constant 1024 : i32
    %mul3A_2 = arith.muli %add3A, %mul3A_1 : i32
    %dma_start3A = arith.constant 0 : i32
    %dma_start3A_3 = tpu.memref_slice %arg2[%dma_start3A, %mul3A_2] : memref<8x32768xf32, #tpu.memory_space<hbm>> -> memref<1x1024xf32, #tpu.memory_space<hbm>>
    %dma_start3A_4 = tpu.memref_squeeze %dma_start3A_3 : memref<1x1024xf32, #tpu.memory_space<hbm>> -> memref<1024xf32, #tpu.memory_space<hbm>>
    %dma_start3A_5 = tpu.memref_slice %arg2[%dma_start3A, %mul3A_2] : memref<8x32768xf32, #tpu.memory_space<hbm>> -> memref<1x1024xf32, #tpu.memory_space<hbm>>
    %dma_start3A_6 = tpu.memref_squeeze %dma_start3A_5 : memref<1x1024xf32, #tpu.memory_space<hbm>> -> memref<1024xf32, #tpu.memory_space<hbm>>
    tpu.enqueue_dma source(%dma_start3A_6 : memref<1024xf32, #tpu.memory_space<hbm>>) target(%arg5 : memref<1024xf32, #tpu.memory_space<vmem>>) target_semaphore(%arg17 : memref<!tpu.dma_semaphore, #tpu.memory_space<semaphore_mem>>)
    %dma_start3A_7 = arith.constant 1 : i32
    %dma_start3A_8 = tpu.memref_slice %arg2[%dma_start3A_7, %mul3A_2] : memref<8x32768xf32, #tpu.memory_space<hbm>> -> memref<1x1024xf32, #tpu.memory_space<hbm>>
    %dma_start3A_9 = tpu.memref_squeeze %dma_start3A_8 : memref<1x1024xf32, #tpu.memory_space<hbm>> -> memref<1024xf32, #tpu.memory_space<hbm>>
    %dma_start3A_10 = tpu.memref_slice %arg2[%dma_start3A_7, %mul3A_2] : memref<8x32768xf32, #tpu.memory_space<hbm>> -> memref<1x1024xf32, #tpu.memory_space<hbm>>
    %dma_start3A_11 = tpu.memref_squeeze %dma_start3A_10 : memref<1x1024xf32, #tpu.memory_space<hbm>> -> memref<1024xf32, #tpu.memory_space<hbm>>
    tpu.enqueue_dma source(%dma_start3A_11 : memref<1024xf32, #tpu.memory_space<hbm>>) target(%arg6 : memref<1024xf32, #tpu.memory_space<vmem>>) target_semaphore(%arg17 : memref<!tpu.dma_semaphore, #tpu.memory_space<semaphore_mem>>)
    %dma_start3A_12 = arith.constant 2 : i32
    %dma_start3A_13 = tpu.memref_slice %arg2[%dma_start3A_12, %mul3A_2] : memref<8x32768xf32, #tpu.memory_space<hbm>> -> memref<1x1024xf32, #tpu.memory_space<hbm>>
    %dma_start3A_14 = tpu.memref_squeeze %dma_start3A_13 : memref<1x1024xf32, #tpu.memory_space<hbm>> -> memref<1024xf32, #tpu.memory_space<hbm>>
    %dma_start3A_15 = tpu.memref_slice %arg2[%dma_start3A_12, %mul3A_2] : memref<8x32768xf32, #tpu.memory_space<hbm>> -> memref<1x1024xf32, #tpu.memory_space<hbm>>
    %dma_start3A_16 = tpu.memref_squeeze %dma_start3A_15 : memref<1x1024xf32, #tpu.memory_space<hbm>> -> memref<1024xf32, #tpu.memory_space<hbm>>
    tpu.enqueue_dma source(%dma_start3A_16 : memref<1024xf32, #tpu.memory_space<hbm>>) target(%arg7 : memref<1024xf32, #tpu.memory_space<vmem>>) target_semaphore(%arg17 : memref<!tpu.dma_semaphore, #tpu.memory_space<semaphore_mem>>)
    %dma_start3A_17 = arith.constant 3 : i32
    %dma_start3A_18 = tpu.memref_slice %arg2[%dma_start3A_17, %mul3A_2] : memref<8x32768xf32, #tpu.memory_space<hbm>> -> memref<1x1024xf32, #tpu.memory_space<hbm>>
    %dma_start3A_19 = tpu.memref_squeeze %dma_start3A_18 : memref<1x1024xf32, #tpu.memory_space<hbm>> -> memref<1024xf32, #tpu.memory_space<hbm>>
    %dma_start3A_20 = tpu.memref_slice %arg2[%dma_start3A_17, %mul3A_2] : memref<8x32768xf32, #tpu.memory_space<hbm>> -> memref<1x1024xf32, #tpu.memory_space<hbm>>
    %dma_start3A_21 = tpu.memref_squeeze %dma_start3A_20 : memref<1x1024xf32, #tpu.memory_space<hbm>> -> memref<1024xf32, #tpu.memory_space<hbm>>
    tpu.enqueue_dma source(%dma_start3A_21 : memref<1024xf32, #tpu.memory_space<hbm>>) target(%arg8 : memref<1024xf32, #tpu.memory_space<vmem>>) target_semaphore(%arg17 : memref<!tpu.dma_semaphore, #tpu.memory_space<semaphore_mem>>)
    %dma_start3A_22 = arith.constant 4 : i32
    %dma_start3A_23 = tpu.memref_slice %arg2[%dma_start3A_22, %mul3A_2] : memref<8x32768xf32, #tpu.memory_space<hbm>> -> memref<1x1024xf32, #tpu.memory_space<hbm>>
    %dma_start3A_24 = tpu.memref_squeeze %dma_start3A_23 : memref<1x1024xf32, #tpu.memory_space<hbm>> -> memref<1024xf32, #tpu.memory_space<hbm>>
    %dma_start3A_25 = tpu.memref_slice %arg2[%dma_start3A_22, %mul3A_2] : memref<8x32768xf32, #tpu.memory_space<hbm>> -> memref<1x1024xf32, #tpu.memory_space<hbm>>
    %dma_start3A_26 = tpu.memref_squeeze %dma_start3A_25 : memref<1x1024xf32, #tpu.memory_space<hbm>> -> memref<1024xf32, #tpu.memory_space<hbm>>
    tpu.enqueue_dma source(%dma_start3A_26 : memref<1024xf32, #tpu.memory_space<hbm>>) target(%arg9 : memref<1024xf32, #tpu.memory_space<vmem>>) target_semaphore(%arg17 : memref<!tpu.dma_semaphore, #tpu.memory_space<semaphore_mem>>)
    %dma_start3A_27 = arith.constant 5 : i32
    %dma_start3A_28 = tpu.memref_slice %arg2[%dma_start3A_27, %mul3A_2] : memref<8x32768xf32, #tpu.memory_space<hbm>> -> memref<1x1024xf32, #tpu.memory_space<hbm>>
    %dma_start3A_29 = tpu.memref_squeeze %dma_start3A_28 : memref<1x1024xf32, #tpu.memory_space<hbm>> -> memref<1024xf32, #tpu.memory_space<hbm>>
    %dma_start3A_30 = tpu.memref_slice %arg2[%dma_start3A_27, %mul3A_2] : memref<8x32768xf32, #tpu.memory_space<hbm>> -> memref<1x1024xf32, #tpu.memory_space<hbm>>
    %dma_start3A_31 = tpu.memref_squeeze %dma_start3A_30 : memref<1x1024xf32, #tpu.memory_space<hbm>> -> memref<1024xf32, #tpu.memory_space<hbm>>
    tpu.enqueue_dma source(%dma_start3A_31 : memref<1024xf32, #tpu.memory_space<hbm>>) target(%arg10 : memref<1024xf32, #tpu.memory_space<vmem>>) target_semaphore(%arg17 : memref<!tpu.dma_semaphore, #tpu.memory_space<semaphore_mem>>)
    %dma_start3A_32 = arith.constant 6 : i32
    %dma_start3A_33 = tpu.memref_slice %arg2[%dma_start3A_32, %mul3A_2] : memref<8x32768xf32, #tpu.memory_space<hbm>> -> memref<1x1024xf32, #tpu.memory_space<hbm>>
    %dma_start3A_34 = tpu.memref_squeeze %dma_start3A_33 : memref<1x1024xf32, #tpu.memory_space<hbm>> -> memref<1024xf32, #tpu.memory_space<hbm>>
    %dma_start3A_35 = tpu.memref_slice %arg2[%dma_start3A_32, %mul3A_2] : memref<8x32768xf32, #tpu.memory_space<hbm>> -> memref<1x1024xf32, #tpu.memory_space<hbm>>
    %dma_start3A_36 = tpu.memref_squeeze %dma_start3A_35 : memref<1x1024xf32, #tpu.memory_space<hbm>> -> memref<1024xf32, #tpu.memory_space<hbm>>
    tpu.enqueue_dma source(%dma_start3A_36 : memref<1024xf32, #tpu.memory_space<hbm>>) target(%arg11 : memref<1024xf32, #tpu.memory_space<vmem>>) target_semaphore(%arg17 : memref<!tpu.dma_semaphore, #tpu.memory_space<semaphore_mem>>)
    %dma_start3A_37 = arith.constant 7 : i32
    %dma_start3A_38 = tpu.memref_slice %arg2[%dma_start3A_37, %mul3A_2] : memref<8x32768xf32, #tpu.memory_space<hbm>> -> memref<1x1024xf32, #tpu.memory_space<hbm>>
    %dma_start3A_39 = tpu.memref_squeeze %dma_start3A_38 : memref<1x1024xf32, #tpu.memory_space<hbm>> -> memref<1024xf32, #tpu.memory_space<hbm>>
    %dma_start3A_40 = tpu.memref_slice %arg2[%dma_start3A_37, %mul3A_2] : memref<8x32768xf32, #tpu.memory_space<hbm>> -> memref<1x1024xf32, #tpu.memory_space<hbm>>
    %dma_start3A_41 = tpu.memref_squeeze %dma_start3A_40 : memref<1x1024xf32, #tpu.memory_space<hbm>> -> memref<1024xf32, #tpu.memory_space<hbm>>
    tpu.enqueue_dma source(%dma_start3A_41 : memref<1024xf32, #tpu.memory_space<hbm>>) target(%arg12 : memref<1024xf32, #tpu.memory_space<vmem>>) target_semaphore(%arg17 : memref<!tpu.dma_semaphore, #tpu.memory_space<semaphore_mem>>)
    %dma_wait3A = arith.constant 0 : i32
    %dma_wait3A_42 = tpu.memref_slice %arg2[%dma_wait3A, %mul3A_2] : memref<8x32768xf32, #tpu.memory_space<hbm>> -> memref<1x1024xf32, #tpu.memory_space<hbm>>
    %dma_wait3A_43 = tpu.memref_squeeze %dma_wait3A_42 : memref<1x1024xf32, #tpu.memory_space<hbm>> -> memref<1024xf32, #tpu.memory_space<hbm>>
    %dma_wait3A_44 = tpu.memref_slice %arg2[%dma_wait3A, %mul3A_2] : memref<8x32768xf32, #tpu.memory_space<hbm>> -> memref<1x1024xf32, #tpu.memory_space<hbm>>
    %dma_wait3A_45 = tpu.memref_squeeze %dma_wait3A_44 : memref<1x1024xf32, #tpu.memory_space<hbm>> -> memref<1024xf32, #tpu.memory_space<hbm>>
    tpu.wait_dma2 semaphore(%arg17 : memref<!tpu.dma_semaphore, #tpu.memory_space<semaphore_mem>>) src(%dma_wait3A_45 : memref<1024xf32, #tpu.memory_space<hbm>>) dst(%arg5 : memref<1024xf32, #tpu.memory_space<vmem>>)
    %dma_wait3A_46 = arith.constant 1 : i32
    %dma_wait3A_47 = tpu.memref_slice %arg2[%dma_wait3A_46, %mul3A_2] : memref<8x32768xf32, #tpu.memory_space<hbm>> -> memref<1x1024xf32, #tpu.memory_space<hbm>>
    %dma_wait3A_48 = tpu.memref_squeeze %dma_wait3A_47 : memref<1x1024xf32, #tpu.memory_space<hbm>> -> memref<1024xf32, #tpu.memory_space<hbm>>
    %dma_wait3A_49 = tpu.memref_slice %arg2[%dma_wait3A_46, %mul3A_2] : memref<8x32768xf32, #tpu.memory_space<hbm>> -> memref<1x1024xf32, #tpu.memory_space<hbm>>
    %dma_wait3A_50 = tpu.memref_squeeze %dma_wait3A_49 : memref<1x1024xf32, #tpu.memory_space<hbm>> -> memref<1024xf32, #tpu.memory_space<hbm>>
    tpu.wait_dma2 semaphore(%arg17 : memref<!tpu.dma_semaphore, #tpu.memory_space<semaphore_mem>>) src(%dma_wait3A_50 : memref<1024xf32, #tpu.memory_space<hbm>>) dst(%arg6 : memref<1024xf32, #tpu.memory_space<vmem>>)
    %dma_wait3A_51 = arith.constant 2 : i32
    %dma_wait3A_52 = tpu.memref_slice %arg2[%dma_wait3A_51, %mul3A_2] : memref<8x32768xf32, #tpu.memory_space<hbm>> -> memref<1x1024xf32, #tpu.memory_space<hbm>>
    %dma_wait3A_53 = tpu.memref_squeeze %dma_wait3A_52 : memref<1x1024xf32, #tpu.memory_space<hbm>> -> memref<1024xf32, #tpu.memory_space<hbm>>
    %dma_wait3A_54 = tpu.memref_slice %arg2[%dma_wait3A_51, %mul3A_2] : memref<8x32768xf32, #tpu.memory_space<hbm>> -> memref<1x1024xf32, #tpu.memory_space<hbm>>
    %dma_wait3A_55 = tpu.memref_squeeze %dma_wait3A_54 : memref<1x1024xf32, #tpu.memory_space<hbm>> -> memref<1024xf32, #tpu.memory_space<hbm>>
    tpu.wait_dma2 semaphore(%arg17 : memref<!tpu.dma_semaphore, #tpu.memory_space<semaphore_mem>>) src(%dma_wait3A_55 : memref<1024xf32, #tpu.memory_space<hbm>>) dst(%arg7 : memref<1024xf32, #tpu.memory_space<vmem>>)
    %dma_wait3A_56 = arith.constant 3 : i32
    %dma_wait3A_57 = tpu.memref_slice %arg2[%dma_wait3A_56, %mul3A_2] : memref<8x32768xf32, #tpu.memory_space<hbm>> -> memref<1x1024xf32, #tpu.memory_space<hbm>>
    %dma_wait3A_58 = tpu.memref_squeeze %dma_wait3A_57 : memref<1x1024xf32, #tpu.memory_space<hbm>> -> memref<1024xf32, #tpu.memory_space<hbm>>
    %dma_wait3A_59 = tpu.memref_slice %arg2[%dma_wait3A_56, %mul3A_2] : memref<8x32768xf32, #tpu.memory_space<hbm>> -> memref<1x1024xf32, #tpu.memory_space<hbm>>
    %dma_wait3A_60 = tpu.memref_squeeze %dma_wait3A_59 : memref<1x1024xf32, #tpu.memory_space<hbm>> -> memref<1024xf32, #tpu.memory_space<hbm>>
    tpu.wait_dma2 semaphore(%arg17 : memref<!tpu.dma_semaphore, #tpu.memory_space<semaphore_mem>>) src(%dma_wait3A_60 : memref<1024xf32, #tpu.memory_space<hbm>>) dst(%arg8 : memref<1024xf32, #tpu.memory_space<vmem>>)
    %dma_wait3A_61 = arith.constant 4 : i32
    %dma_wait3A_62 = tpu.memref_slice %arg2[%dma_wait3A_61, %mul3A_2] : memref<8x32768xf32, #tpu.memory_space<hbm>> -> memref<1x1024xf32, #tpu.memory_space<hbm>>
    %dma_wait3A_63 = tpu.memref_squeeze %dma_wait3A_62 : memref<1x1024xf32, #tpu.memory_space<hbm>> -> memref<1024xf32, #tpu.memory_space<hbm>>
    %dma_wait3A_64 = tpu.memref_slice %arg2[%dma_wait3A_61, %mul3A_2] : memref<8x32768xf32, #tpu.memory_space<hbm>> -> memref<1x1024xf32, #tpu.memory_space<hbm>>
    %dma_wait3A_65 = tpu.memref_squeeze %dma_wait3A_64 : memref<1x1024xf32, #tpu.memory_space<hbm>> -> memref<1024xf32, #tpu.memory_space<hbm>>
    tpu.wait_dma2 semaphore(%arg17 : memref<!tpu.dma_semaphore, #tpu.memory_space<semaphore_mem>>) src(%dma_wait3A_65 : memref<1024xf32, #tpu.memory_space<hbm>>) dst(%arg9 : memref<1024xf32, #tpu.memory_space<vmem>>)
    %dma_wait3A_66 = arith.constant 5 : i32
    %dma_wait3A_67 = tpu.memref_slice %arg2[%dma_wait3A_66, %mul3A_2] : memref<8x32768xf32, #tpu.memory_space<hbm>> -> memref<1x1024xf32, #tpu.memory_space<hbm>>
    %dma_wait3A_68 = tpu.memref_squeeze %dma_wait3A_67 : memref<1x1024xf32, #tpu.memory_space<hbm>> -> memref<1024xf32, #tpu.memory_space<hbm>>
    %dma_wait3A_69 = tpu.memref_slice %arg2[%dma_wait3A_66, %mul3A_2] : memref<8x32768xf32, #tpu.memory_space<hbm>> -> memref<1x1024xf32, #tpu.memory_space<hbm>>
    %dma_wait3A_70 = tpu.memref_squeeze %dma_wait3A_69 : memref<1x1024xf32, #tpu.memory_space<hbm>> -> memref<1024xf32, #tpu.memory_space<hbm>>
    tpu.wait_dma2 semaphore(%arg17 : memref<!tpu.dma_semaphore, #tpu.memory_space<semaphore_mem>>) src(%dma_wait3A_70 : memref<1024xf32, #tpu.memory_space<hbm>>) dst(%arg10 : memref<1024xf32, #tpu.memory_space<vmem>>)
    %dma_wait3A_71 = arith.constant 6 : i32
    %dma_wait3A_72 = tpu.memref_slice %arg2[%dma_wait3A_71, %mul3A_2] : memref<8x32768xf32, #tpu.memory_space<hbm>> -> memref<1x1024xf32, #tpu.memory_space<hbm>>
    %dma_wait3A_73 = tpu.memref_squeeze %dma_wait3A_72 : memref<1x1024xf32, #tpu.memory_space<hbm>> -> memref<1024xf32, #tpu.memory_space<hbm>>
    %dma_wait3A_74 = tpu.memref_slice %arg2[%dma_wait3A_71, %mul3A_2] : memref<8x32768xf32, #tpu.memory_space<hbm>> -> memref<1x1024xf32, #tpu.memory_space<hbm>>
    %dma_wait3A_75 = tpu.memref_squeeze %dma_wait3A_74 : memref<1x1024xf32, #tpu.memory_space<hbm>> -> memref<1024xf32, #tpu.memory_space<hbm>>
    tpu.wait_dma2 semaphore(%arg17 : memref<!tpu.dma_semaphore, #tpu.memory_space<semaphore_mem>>) src(%dma_wait3A_75 : memref<1024xf32, #tpu.memory_space<hbm>>) dst(%arg11 : memref<1024xf32, #tpu.memory_space<vmem>>)
    %dma_wait3A_76 = arith.constant 7 : i32
    %dma_wait3A_77 = tpu.memref_slice %arg2[%dma_wait3A_76, %mul3A_2] : memref<8x32768xf32, #tpu.memory_space<hbm>> -> memref<1x1024xf32, #tpu.memory_space<hbm>>
    %dma_wait3A_78 = tpu.memref_squeeze %dma_wait3A_77 : memref<1x1024xf32, #tpu.memory_space<hbm>> -> memref<1024xf32, #tpu.memory_space<hbm>>
    %dma_wait3A_79 = tpu.memref_slice %arg2[%dma_wait3A_76, %mul3A_2] : memref<8x32768xf32, #tpu.memory_space<hbm>> -> memref<1x1024xf32, #tpu.memory_space<hbm>>
    %dma_wait3A_80 = tpu.memref_squeeze %dma_wait3A_79 : memref<1x1024xf32, #tpu.memory_space<hbm>> -> memref<1024xf32, #tpu.memory_space<hbm>>
    tpu.wait_dma2 semaphore(%arg17 : memref<!tpu.dma_semaphore, #tpu.memory_space<semaphore_mem>>) src(%dma_wait3A_80 : memref<1024xf32, #tpu.memory_space<hbm>>) dst(%arg12 : memref<1024xf32, #tpu.memory_space<vmem>>)
    %scan3A = arith.constant 0 : i32
    %scan3A_81 = arith.constant 0 : i32
    %scan3A_82 = arith.constant 64 : i32
    %scan3A_83 = arith.addi %scan3A_81, %scan3A_82 : i32
    %scan3A_84 = arith.constant 1 : i32
    scf.for %scan3A_126 = %scan3A_81 to %scan3A_83 step %scan3A_84  : i32 {
      %mul3A_127 = arith.constant 16 : i32
      %mul3A_128 = arith.muli %scan3A_126, %mul3A_127 : i32
      %get3A = arith.index_cast %mul3A_128 : i32 to index
      %get3A_129 = tpu.vector_load %arg5[%get3A] {strides = array<i32>} : memref<1024xf32, #tpu.memory_space<vmem>>, vector<16xf32>,
      %get3A_130 = vector.shape_cast %get3A_129 : vector<16xf32> to vector<16xf32>
      %get3A_131 = arith.index_cast %mul3A_128 : i32 to index
      %get3A_132 = tpu.vector_load %arg6[%get3A_131] {strides = array<i32>} : memref<1024xf32, #tpu.memory_space<vmem>>, vector<16xf32>,
      %get3A_133 = vector.shape_cast %get3A_132 : vector<16xf32> to vector<16xf32>
      %get3A_134 = arith.index_cast %mul3A_128 : i32 to index
      %get3A_135 = tpu.vector_load %arg7[%get3A_134] {strides = array<i32>} : memref<1024xf32, #tpu.memory_space<vmem>>, vector<16xf32>,
      %get3A_136 = vector.shape_cast %get3A_135 : vector<16xf32> to vector<16xf32>
      %get3A_137 = arith.index_cast %mul3A_128 : i32 to index
      %get3A_138 = tpu.vector_load %arg8[%get3A_137] {strides = array<i32>} : memref<1024xf32, #tpu.memory_space<vmem>>, vector<16xf32>,
      %get3A_139 = vector.shape_cast %get3A_138 : vector<16xf32> to vector<16xf32>
      %get3A_140 = arith.index_cast %mul3A_128 : i32 to index
      %get3A_141 = tpu.vector_load %arg9[%get3A_140] {strides = array<i32>} : memref<1024xf32, #tpu.memory_space<vmem>>, vector<16xf32>,
      %get3A_142 = vector.shape_cast %get3A_141 : vector<16xf32> to vector<16xf32>
      %get3A_143 = arith.index_cast %mul3A_128 : i32 to index
      %get3A_144 = tpu.vector_load %arg10[%get3A_143] {strides = array<i32>} : memref<1024xf32, #tpu.memory_space<vmem>>, vector<16xf32>,
      %get3A_145 = vector.shape_cast %get3A_144 : vector<16xf32> to vector<16xf32>
      %get3A_146 = arith.index_cast %mul3A_128 : i32 to index
      %get3A_147 = tpu.vector_load %arg11[%get3A_146] {strides = array<i32>} : memref<1024xf32, #tpu.memory_space<vmem>>, vector<16xf32>,
      %get3A_148 = vector.shape_cast %get3A_147 : vector<16xf32> to vector<16xf32>
      %get3A_149 = arith.index_cast %mul3A_128 : i32 to index
      %get3A_150 = tpu.vector_load %arg12[%get3A_149] {strides = array<i32>} : memref<1024xf32, #tpu.memory_space<vmem>>, vector<16xf32>,
      %get3A_151 = vector.shape_cast %get3A_150 : vector<16xf32> to vector<16xf32>
      %broadcast_in_dim3A = arith.constant 0 : i32
      %broadcast_in_dim3A_152 = vector.broadcast %broadcast_in_dim3A : i32 to vector<16xi32>
      %broadcast_in_dim3A_153 = arith.constant -1.000000e+00 : f32
      %broadcast_in_dim3A_154 = vector.broadcast %broadcast_in_dim3A_153 : f32 to vector<16xf32>
      %broadcast_in_dim3A_155 = arith.constant 8 : i32
      %broadcast_in_dim3A_156 = vector.broadcast %broadcast_in_dim3A_155 : i32 to vector<16xi32>
      %broadcast_in_dim3A_157 = arith.constant 1 : i32
      %broadcast_in_dim3A_158 = vector.broadcast %broadcast_in_dim3A_157 : i32 to vector<16xi32>
      %gt3A = arith.cmpf ogt, %get3A_133, %get3A_130 : vector<16xf32>
      %gt3A_159 = arith.cmpf ogt, %get3A_133, %broadcast_in_dim3A_154 : vector<16xf32>
      %select_n3A = arith.select %gt3A_159, %get3A_133, %broadcast_in_dim3A_154 : vector<16xi1>, vector<16xf32>
      %select_n3A_160 = arith.select %gt3A, %get3A_130, %select_n3A : vector<16xi1>, vector<16xf32>
      %select_n3A_161 = arith.select %gt3A_159, %broadcast_in_dim3A_158, %broadcast_in_dim3A_156 : vector<16xi1>, vector<16xi32>
      %select_n3A_162 = arith.select %gt3A, %broadcast_in_dim3A_152, %select_n3A_161 : vector<16xi1>, vector<16xi32>
      %select_n3A_163 = arith.select %gt3A, %get3A_133, %get3A_130 : vector<16xi1>, vector<16xf32>
      %select_n3A_164 = arith.select %gt3A, %broadcast_in_dim3A_158, %broadcast_in_dim3A_152 : vector<16xi1>, vector<16xi32>
      %broadcast_in_dim3A_165 = arith.constant 2 : i32
      %broadcast_in_dim3A_166 = vector.broadcast %broadcast_in_dim3A_165 : i32 to vector<16xi32>
      %gt3A_167 = arith.cmpf ogt, %get3A_136, %select_n3A_163 : vector<16xf32>
      %gt3A_168 = arith.cmpf ogt, %get3A_136, %select_n3A_160 : vector<16xf32>
      %select_n3A_169 = arith.select %gt3A_168, %get3A_136, %select_n3A_160 : vector<16xi1>, vector<16xf32>
      %select_n3A_170 = arith.select %gt3A_167, %select_n3A_163, %select_n3A_169 : vector<16xi1>, vector<16xf32>
      %select_n3A_171 = arith.select %gt3A_168, %broadcast_in_dim3A_166, %select_n3A_162 : vector<16xi1>, vector<16xi32>
      %select_n3A_172 = arith.select %gt3A_167, %select_n3A_164, %select_n3A_171 : vector<16xi1>, vector<16xi32>
      %select_n3A_173 = arith.select %gt3A_167, %get3A_136, %select_n3A_163 : vector<16xi1>, vector<16xf32>
      %select_n3A_174 = arith.select %gt3A_167, %broadcast_in_dim3A_166, %select_n3A_164 : vector<16xi1>, vector<16xi32>
      %broadcast_in_dim3A_175 = arith.constant 3 : i32
      %broadcast_in_dim3A_176 = vector.broadcast %broadcast_in_dim3A_175 : i32 to vector<16xi32>
      %gt3A_177 = arith.cmpf ogt, %get3A_139, %select_n3A_173 : vector<16xf32>
      %gt3A_178 = arith.cmpf ogt, %get3A_139, %select_n3A_170 : vector<16xf32>
      %select_n3A_179 = arith.select %gt3A_178, %get3A_139, %select_n3A_170 : vector<16xi1>, vector<16xf32>
      %select_n3A_180 = arith.select %gt3A_177, %select_n3A_173, %select_n3A_179 : vector<16xi1>, vector<16xf32>
      %select_n3A_181 = arith.select %gt3A_178, %broadcast_in_dim3A_176, %select_n3A_172 : vector<16xi1>, vector<16xi32>
      %select_n3A_182 = arith.select %gt3A_177, %select_n3A_174, %select_n3A_181 : vector<16xi1>, vector<16xi32>
      %select_n3A_183 = arith.select %gt3A_177, %get3A_139, %select_n3A_173 : vector<16xi1>, vector<16xf32>
      %select_n3A_184 = arith.select %gt3A_177, %broadcast_in_dim3A_176, %select_n3A_174 : vector<16xi1>, vector<16xi32>
      %broadcast_in_dim3A_185 = arith.constant 4 : i32
      %broadcast_in_dim3A_186 = vector.broadcast %broadcast_in_dim3A_185 : i32 to vector<16xi32>
      %gt3A_187 = arith.cmpf ogt, %get3A_142, %select_n3A_183 : vector<16xf32>
      %gt3A_188 = arith.cmpf ogt, %get3A_142, %select_n3A_180 : vector<16xf32>
      %select_n3A_189 = arith.select %gt3A_188, %get3A_142, %select_n3A_180 : vector<16xi1>, vector<16xf32>
      %select_n3A_190 = arith.select %gt3A_187, %select_n3A_183, %select_n3A_189 : vector<16xi1>, vector<16xf32>
      %select_n3A_191 = arith.select %gt3A_188, %broadcast_in_dim3A_186, %select_n3A_182 : vector<16xi1>, vector<16xi32>
      %select_n3A_192 = arith.select %gt3A_187, %select_n3A_184, %select_n3A_191 : vector<16xi1>, vector<16xi32>
      %select_n3A_193 = arith.select %gt3A_187, %get3A_142, %select_n3A_183 : vector<16xi1>, vector<16xf32>
      %select_n3A_194 = arith.select %gt3A_187, %broadcast_in_dim3A_186, %select_n3A_184 : vector<16xi1>, vector<16xi32>
      %broadcast_in_dim3A_195 = arith.constant 5 : i32
      %broadcast_in_dim3A_196 = vector.broadcast %broadcast_in_dim3A_195 : i32 to vector<16xi32>
      %gt3A_197 = arith.cmpf ogt, %get3A_145, %select_n3A_193 : vector<16xf32>
      %gt3A_198 = arith.cmpf ogt, %get3A_145, %select_n3A_190 : vector<16xf32>
      %select_n3A_199 = arith.select %gt3A_198, %get3A_145, %select_n3A_190 : vector<16xi1>, vector<16xf32>
      %select_n3A_200 = arith.select %gt3A_197, %select_n3A_193, %select_n3A_199 : vector<16xi1>, vector<16xf32>
      %select_n3A_201 = arith.select %gt3A_198, %broadcast_in_dim3A_196, %select_n3A_192 : vector<16xi1>, vector<16xi32>
      %select_n3A_202 = arith.select %gt3A_197, %select_n3A_194, %select_n3A_201 : vector<16xi1>, vector<16xi32>
      %select_n3A_203 = arith.select %gt3A_197, %get3A_145, %select_n3A_193 : vector<16xi1>, vector<16xf32>
      %select_n3A_204 = arith.select %gt3A_197, %broadcast_in_dim3A_196, %select_n3A_194 : vector<16xi1>, vector<16xi32>
      %broadcast_in_dim3A_205 = arith.constant 6 : i32
      %broadcast_in_dim3A_206 = vector.broadcast %broadcast_in_dim3A_205 : i32 to vector<16xi32>
      %gt3A_207 = arith.cmpf ogt, %get3A_148, %select_n3A_203 : vector<16xf32>
      %gt3A_208 = arith.cmpf ogt, %get3A_148, %select_n3A_200 : vector<16xf32>
      %select_n3A_209 = arith.select %gt3A_208, %get3A_148, %select_n3A_200 : vector<16xi1>, vector<16xf32>
      %select_n3A_210 = arith.select %gt3A_207, %select_n3A_203, %select_n3A_209 : vector<16xi1>, vector<16xf32>
      %select_n3A_211 = arith.select %gt3A_208, %broadcast_in_dim3A_206, %select_n3A_202 : vector<16xi1>, vector<16xi32>
      %select_n3A_212 = arith.select %gt3A_207, %select_n3A_204, %select_n3A_211 : vector<16xi1>, vector<16xi32>
      %select_n3A_213 = arith.select %gt3A_207, %get3A_148, %select_n3A_203 : vector<16xi1>, vector<16xf32>
      %select_n3A_214 = arith.select %gt3A_207, %broadcast_in_dim3A_206, %select_n3A_204 : vector<16xi1>, vector<16xi32>
      %broadcast_in_dim3A_215 = arith.constant 7 : i32
      %broadcast_in_dim3A_216 = vector.broadcast %broadcast_in_dim3A_215 : i32 to vector<16xi32>
      %gt3A_217 = arith.cmpf ogt, %get3A_151, %select_n3A_213 : vector<16xf32>
      %gt3A_218 = arith.cmpf ogt, %get3A_151, %select_n3A_210 : vector<16xf32>
      %select_n3A_219 = arith.select %gt3A_218, %get3A_151, %select_n3A_210 : vector<16xi1>, vector<16xf32>
      %select_n3A_220 = arith.select %gt3A_217, %select_n3A_213, %select_n3A_219 : vector<16xi1>, vector<16xf32>
      %select_n3A_221 = arith.select %gt3A_218, %broadcast_in_dim3A_216, %select_n3A_212 : vector<16xi1>, vector<16xi32>
      %select_n3A_222 = arith.select %gt3A_217, %select_n3A_214, %select_n3A_221 : vector<16xi1>, vector<16xi32>
      %select_n3A_223 = arith.select %gt3A_217, %get3A_151, %select_n3A_213 : vector<16xi1>, vector<16xf32>
      %select_n3A_224 = arith.select %gt3A_217, %broadcast_in_dim3A_216, %select_n3A_214 : vector<16xi1>, vector<16xi32>
      %swap3A = arith.index_cast %mul3A_128 : i32 to index
      %swap3A_225 = tpu.vector_load %arg13[%swap3A] {strides = array<i32>} : memref<1024xf32, #tpu.memory_space<vmem>>, vector<16xf32>,
      %swap3A_226 = vector.shape_cast %swap3A_225 : vector<16xf32> to vector<16xf32>
      %swap3A_227 = vector.shape_cast %select_n3A_223 : vector<16xf32> to vector<16xf32>
      tpu.vector_store %arg13[%swap3A], %swap3A_227 {strides = array<i32>} : memref<1024xf32, #tpu.memory_space<vmem>>, vector<16xf32>,
      %swap3A_228 = arith.index_cast %mul3A_128 : i32 to index
      %swap3A_229 = tpu.vector_load %arg14[%swap3A_228] {strides = array<i32>} : memref<1024xf32, #tpu.memory_space<vmem>>, vector<16xf32>,
      %swap3A_230 = vector.shape_cast %swap3A_229 : vector<16xf32> to vector<16xf32>
      %swap3A_231 = vector.shape_cast %select_n3A_220 : vector<16xf32> to vector<16xf32>
      tpu.vector_store %arg14[%swap3A_228], %swap3A_231 {strides = array<i32>} : memref<1024xf32, #tpu.memory_space<vmem>>, vector<16xf32>,
      %swap3A_232 = arith.index_cast %mul3A_128 : i32 to index
      %swap3A_233 = tpu.vector_load %arg15[%swap3A_232] {strides = array<i32>} : memref<1024xi32, #tpu.memory_space<vmem>>, vector<16xi32>,
      %swap3A_234 = vector.shape_cast %swap3A_233 : vector<16xi32> to vector<16xi32>
      %swap3A_235 = vector.shape_cast %select_n3A_224 : vector<16xi32> to vector<16xi32>
      tpu.vector_store %arg15[%swap3A_232], %swap3A_235 {strides = array<i32>} : memref<1024xi32, #tpu.memory_space<vmem>>, vector<16xi32>,
      %swap3A_236 = arith.index_cast %mul3A_128 : i32 to index
      %swap3A_237 = tpu.vector_load %arg16[%swap3A_236] {strides = array<i32>} : memref<1024xi32, #tpu.memory_space<vmem>>, vector<16xi32>,
      %swap3A_238 = vector.shape_cast %swap3A_237 : vector<16xi32> to vector<16xi32>
      %swap3A_239 = vector.shape_cast %select_n3A_222 : vector<16xi32> to vector<16xi32>
      tpu.vector_store %arg16[%swap3A_236], %swap3A_239 {strides = array<i32>} : memref<1024xi32, #tpu.memory_space<vmem>>, vector<16xi32>,
    }
    %scan3A_85 = arith.constant 64 : i32
    %dma_start3A_86 = arith.constant 0 : i32
    %dma_start3A_87 = tpu.memref_slice %arg3[%dma_start3A_86, %mul3A_2] : memref<2x32768xf32, #tpu.memory_space<hbm>> -> memref<1x1024xf32, #tpu.memory_space<hbm>>
    %dma_start3A_88 = tpu.memref_squeeze %dma_start3A_87 : memref<1x1024xf32, #tpu.memory_space<hbm>> -> memref<1024xf32, #tpu.memory_space<hbm>>
    %dma_start3A_89 = tpu.memref_slice %arg3[%dma_start3A_86, %mul3A_2] : memref<2x32768xf32, #tpu.memory_space<hbm>> -> memref<1x1024xf32, #tpu.memory_space<hbm>>
    %dma_start3A_90 = tpu.memref_squeeze %dma_start3A_89 : memref<1x1024xf32, #tpu.memory_space<hbm>> -> memref<1024xf32, #tpu.memory_space<hbm>>
    tpu.enqueue_dma source(%arg13 : memref<1024xf32, #tpu.memory_space<vmem>>) target(%dma_start3A_90 : memref<1024xf32, #tpu.memory_space<hbm>>) target_semaphore(%arg18 : memref<!tpu.dma_semaphore, #tpu.memory_space<semaphore_mem>>)
    %dma_start3A_91 = arith.constant 1 : i32
    %dma_start3A_92 = tpu.memref_slice %arg3[%dma_start3A_91, %mul3A_2] : memref<2x32768xf32, #tpu.memory_space<hbm>> -> memref<1x1024xf32, #tpu.memory_space<hbm>>
    %dma_start3A_93 = tpu.memref_squeeze %dma_start3A_92 : memref<1x1024xf32, #tpu.memory_space<hbm>> -> memref<1024xf32, #tpu.memory_space<hbm>>
    %dma_start3A_94 = tpu.memref_slice %arg3[%dma_start3A_91, %mul3A_2] : memref<2x32768xf32, #tpu.memory_space<hbm>> -> memref<1x1024xf32, #tpu.memory_space<hbm>>
    %dma_start3A_95 = tpu.memref_squeeze %dma_start3A_94 : memref<1x1024xf32, #tpu.memory_space<hbm>> -> memref<1024xf32, #tpu.memory_space<hbm>>
    tpu.enqueue_dma source(%arg14 : memref<1024xf32, #tpu.memory_space<vmem>>) target(%dma_start3A_95 : memref<1024xf32, #tpu.memory_space<hbm>>) target_semaphore(%arg18 : memref<!tpu.dma_semaphore, #tpu.memory_space<semaphore_mem>>)
    %dma_start3A_96 = arith.constant 0 : i32
    %dma_start3A_97 = tpu.memref_slice %arg4[%dma_start3A_96, %mul3A_2] : memref<2x32768xi32, #tpu.memory_space<hbm>> -> memref<1x1024xi32, #tpu.memory_space<hbm>>
    %dma_start3A_98 = tpu.memref_squeeze %dma_start3A_97 : memref<1x1024xi32, #tpu.memory_space<hbm>> -> memref<1024xi32, #tpu.memory_space<hbm>>
    %dma_start3A_99 = tpu.memref_slice %arg4[%dma_start3A_96, %mul3A_2] : memref<2x32768xi32, #tpu.memory_space<hbm>> -> memref<1x1024xi32, #tpu.memory_space<hbm>>
    %dma_start3A_100 = tpu.memref_squeeze %dma_start3A_99 : memref<1x1024xi32, #tpu.memory_space<hbm>> -> memref<1024xi32, #tpu.memory_space<hbm>>
    tpu.enqueue_dma source(%arg15 : memref<1024xi32, #tpu.memory_space<vmem>>) target(%dma_start3A_100 : memref<1024xi32, #tpu.memory_space<hbm>>) target_semaphore(%arg18 : memref<!tpu.dma_semaphore, #tpu.memory_space<semaphore_mem>>)
    %dma_start3A_101 = arith.constant 1 : i32
    %dma_start3A_102 = tpu.memref_slice %arg4[%dma_start3A_101, %mul3A_2] : memref<2x32768xi32, #tpu.memory_space<hbm>> -> memref<1x1024xi32, #tpu.memory_space<hbm>>
    %dma_start3A_103 = tpu.memref_squeeze %dma_start3A_102 : memref<1x1024xi32, #tpu.memory_space<hbm>> -> memref<1024xi32, #tpu.memory_space<hbm>>
    %dma_start3A_104 = tpu.memref_slice %arg4[%dma_start3A_101, %mul3A_2] : memref<2x32768xi32, #tpu.memory_space<hbm>> -> memref<1x1024xi32, #tpu.memory_space<hbm>>
    %dma_start3A_105 = tpu.memref_squeeze %dma_start3A_104 : memref<1x1024xi32, #tpu.memory_space<hbm>> -> memref<1024xi32, #tpu.memory_space<hbm>>
    tpu.enqueue_dma source(%arg16 : memref<1024xi32, #tpu.memory_space<vmem>>) target(%dma_start3A_105 : memref<1024xi32, #tpu.memory_space<hbm>>) target_semaphore(%arg18 : memref<!tpu.dma_semaphore, #tpu.memory_space<semaphore_mem>>)
    %dma_wait3A_106 = arith.constant 0 : i32
    %dma_wait3A_107 = tpu.memref_slice %arg3[%dma_wait3A_106, %mul3A_2] : memref<2x32768xf32, #tpu.memory_space<hbm>> -> memref<1x1024xf32, #tpu.memory_space<hbm>>
    %dma_wait3A_108 = tpu.memref_squeeze %dma_wait3A_107 : memref<1x1024xf32, #tpu.memory_space<hbm>> -> memref<1024xf32, #tpu.memory_space<hbm>>
    %dma_wait3A_109 = tpu.memref_slice %arg3[%dma_wait3A_106, %mul3A_2] : memref<2x32768xf32, #tpu.memory_space<hbm>> -> memref<1x1024xf32, #tpu.memory_space<hbm>>
    %dma_wait3A_110 = tpu.memref_squeeze %dma_wait3A_109 : memref<1x1024xf32, #tpu.memory_space<hbm>> -> memref<1024xf32, #tpu.memory_space<hbm>>
    tpu.wait_dma2 semaphore(%arg18 : memref<!tpu.dma_semaphore, #tpu.memory_space<semaphore_mem>>) src(%arg13 : memref<1024xf32, #tpu.memory_space<vmem>>) dst(%dma_wait3A_110 : memref<1024xf32, #tpu.memory_space<hbm>>)
    %dma_wait3A_111 = arith.constant 1 : i32
    %dma_wait3A_112 = tpu.memref_slice %arg3[%dma_wait3A_111, %mul3A_2] : memref<2x32768xf32, #tpu.memory_space<hbm>> -> memref<1x1024xf32, #tpu.memory_space<hbm>>
    %dma_wait3A_113 = tpu.memref_squeeze %dma_wait3A_112 : memref<1x1024xf32, #tpu.memory_space<hbm>> -> memref<1024xf32, #tpu.memory_space<hbm>>
    %dma_wait3A_114 = tpu.memref_slice %arg3[%dma_wait3A_111, %mul3A_2] : memref<2x32768xf32, #tpu.memory_space<hbm>> -> memref<1x1024xf32, #tpu.memory_space<hbm>>
    %dma_wait3A_115 = tpu.memref_squeeze %dma_wait3A_114 : memref<1x1024xf32, #tpu.memory_space<hbm>> -> memref<1024xf32, #tpu.memory_space<hbm>>
    tpu.wait_dma2 semaphore(%arg18 : memref<!tpu.dma_semaphore, #tpu.memory_space<semaphore_mem>>) src(%arg14 : memref<1024xf32, #tpu.memory_space<vmem>>) dst(%dma_wait3A_115 : memref<1024xf32, #tpu.memory_space<hbm>>)
    %dma_wait3A_116 = arith.constant 0 : i32
    %dma_wait3A_117 = tpu.memref_slice %arg4[%dma_wait3A_116, %mul3A_2] : memref<2x32768xi32, #tpu.memory_space<hbm>> -> memref<1x1024xi32, #tpu.memory_space<hbm>>
    %dma_wait3A_118 = tpu.memref_squeeze %dma_wait3A_117 : memref<1x1024xi32, #tpu.memory_space<hbm>> -> memref<1024xi32, #tpu.memory_space<hbm>>
    %dma_wait3A_119 = tpu.memref_slice %arg4[%dma_wait3A_116, %mul3A_2] : memref<2x32768xi32, #tpu.memory_space<hbm>> -> memref<1x1024xi32, #tpu.memory_space<hbm>>
    %dma_wait3A_120 = tpu.memref_squeeze %dma_wait3A_119 : memref<1x1024xi32, #tpu.memory_space<hbm>> -> memref<1024xi32, #tpu.memory_space<hbm>>
    tpu.wait_dma2 semaphore(%arg18 : memref<!tpu.dma_semaphore, #tpu.memory_space<semaphore_mem>>) src(%arg15 : memref<1024xi32, #tpu.memory_space<vmem>>) dst(%dma_wait3A_120 : memref<1024xi32, #tpu.memory_space<hbm>>)
    %dma_wait3A_121 = arith.constant 1 : i32
    %dma_wait3A_122 = tpu.memref_slice %arg4[%dma_wait3A_121, %mul3A_2] : memref<2x32768xi32, #tpu.memory_space<hbm>> -> memref<1x1024xi32, #tpu.memory_space<hbm>>
    %dma_wait3A_123 = tpu.memref_squeeze %dma_wait3A_122 : memref<1x1024xi32, #tpu.memory_space<hbm>> -> memref<1024xi32, #tpu.memory_space<hbm>>
    %dma_wait3A_124 = tpu.memref_slice %arg4[%dma_wait3A_121, %mul3A_2] : memref<2x32768xi32, #tpu.memory_space<hbm>> -> memref<1x1024xi32, #tpu.memory_space<hbm>>
    %dma_wait3A_125 = tpu.memref_squeeze %dma_wait3A_124 : memref<1x1024xi32, #tpu.memory_space<hbm>> -> memref<1024xi32, #tpu.memory_space<hbm>>
    tpu.wait_dma2 semaphore(%arg18 : memref<!tpu.dma_semaphore, #tpu.memory_space<semaphore_mem>>) src(%arg16 : memref<1024xi32, #tpu.memory_space<vmem>>) dst(%dma_wait3A_125 : memref<1024xi32, #tpu.memory_space<hbm>>)
    return
  }
}

module attributes {stable_mosaic.version = 14 : i64} {
  func.func @_scores_block(%arg0: i32, %arg1: memref<1024x2048xf32, #tpu.memory_space<vmem>>, %arg2: memref<2048x8xf32, #tpu.memory_space<vmem>>, %arg3: memref<8x1024xf32, #tpu.memory_space<vmem>>) attributes {dimension_semantics = [#tpu.dimension_semantics<arbitrary>], iteration_bounds = array<i64: 32>, scalar_prefetch = 0 : i64, scratch_operands = 0 : i64, tpu.core_type = #tpu.core_type<tc>, window_params = [{transform_indices = @transform_0, window_bounds = array<i64: 1024, 2048>}, {pipeline_mode = #tpu.pipeline_mode<synchronous>, transform_indices = @transform_1, window_bounds = array<i64: 2048, 8>}, {transform_indices = @transform_2, window_bounds = array<i64: 8, 1024>}]} {
    %get3A = arith.constant 0 : index
    %get3A_0 = arith.constant 0 : index
    %get3A_1 = vector.load %arg1[%get3A, %get3A_0] : memref<1024x2048xf32, #tpu.memory_space<vmem>>, vector<1024x2048xf32>
    %get3A_2 = arith.constant 0 : index
    %get3A_3 = arith.constant 0 : index
    %get3A_4 = vector.load %arg2[%get3A_2, %get3A_3] : memref<2048x8xf32, #tpu.memory_space<vmem>>, vector<2048x8xf32>
    %dot_general3A = arith.constant dense<0.000000e+00> : vector<1024x8xf32>
    %dot_general3A_5 = tpu.matmul %get3A_1, %get3A_4, %dot_general3A {dimension_numbers = #tpu.dot_dimension_numbers<[1], [0], [0], [1], [0, 0, 1, 1], [], []>, transpose_lhs_hint = false} : vector<1024x2048xf32>, vector<2048x8xf32>, vector<1024x8xf32> -> vector<1024x8xf32>
    %transpose3A = tpu.transpose %dot_general3A_5, [1, 0] : vector<1024x8xf32> -> vector<8x1024xf32>
    %reduce_max3A = arith.constant dense<0xFF800000> : vector<1024xf32>
    %reduce_max3A_6 = vector.multi_reduction <maximumf>, %transpose3A, %reduce_max3A [0] : vector<8x1024xf32> to vector<1024xf32>
    %broadcast_in_dim3A = vector.shape_cast %reduce_max3A_6 : vector<1024xf32> to vector<1x1024xf32>
    %sub3A = vector.broadcast %broadcast_in_dim3A : vector<1x1024xf32> to vector<8x1024xf32>
    %sub3A_7 = arith.subf %transpose3A, %sub3A : vector<8x1024xf32>
    %exp3A = math.exp %sub3A_7 : vector<8x1024xf32>
    %reduce_sum3A = arith.constant dense<0.000000e+00> : vector<1024xf32>
    %reduce_sum3A_8 = vector.multi_reduction <add>, %exp3A, %reduce_sum3A [0] : vector<8x1024xf32> to vector<1024xf32>
    %broadcast_in_dim3A_9 = vector.shape_cast %reduce_sum3A_8 : vector<1024xf32> to vector<1x1024xf32>
    %div3A = vector.broadcast %broadcast_in_dim3A_9 : vector<1x1024xf32> to vector<8x1024xf32>
    %div3A_10 = arith.divf %exp3A, %div3A : vector<8x1024xf32>
    %swap3A = arith.constant 0 : index
    %swap3A_11 = arith.constant 0 : index
    %swap3A_12 = vector.load %arg3[%swap3A, %swap3A_11] : memref<8x1024xf32, #tpu.memory_space<vmem>>, vector<8x1024xf32>
    tpu.vector_store %arg3[%swap3A, %swap3A_11], %div3A_10 {strides = array<i32>} : memref<8x1024xf32, #tpu.memory_space<vmem>>, vector<8x1024xf32>,
    return
  }
  func.func @transform_0(%arg0: i32) -> (i32, i32) {
    %c0_i32 = arith.constant 0 : i32
    %c0_i32_0 = arith.constant 0 : i32
    return %arg0, %c0_i32 : i32, i32
  }
  func.func @transform_1(%arg0: i32) -> (i32, i32) {
    %c0_i32 = arith.constant 0 : i32
    %c0_i32_0 = arith.constant 0 : i32
    %c0_i32_1 = arith.constant 0 : i32
    return %c0_i32, %c0_i32_0 : i32, i32
  }
  func.func @transform_2(%arg0: i32) -> (i32, i32) {
    %c0_i32 = arith.constant 0 : i32
    %c0_i32_0 = arith.constant 0 : i32
    return %c0_i32, %arg0 : i32, i32
  }
}

</mosaic_0001>

<sc_bundles>
// kernel: kernel.4.cloned.1.call-start
scs
__scs_entry_jumppad:
0x0: {  	(pc) =	sbr.rel $0x88, $3  }
0x1: {  	(tag) =	ssettag $0x0;
	lr =	simm.s32 $0x1  }
0x2: {  	[smem:$0x3F9F] =	sst lr;
	_ =	strace $0xD0000000  }
0x3: {  	_ = 	snop  }
0x4: {  	_ = 	snop  }
0x5: {  	_ = 	snop  }
0x6: {  	_ = 	snop  }
0x7: {  	_ = 	snop  }
__scs_overlays_trampoline_lowered:
0x8: {  	[smem:$0x3FAE] =	sst s0  }
0x9: {  	[smem:$0x3FAF] =	sst s1  }
0xa: {  	[smem:$0x3FB0] =	sst s2  }
0xb: {  	[smem:$0x3FB1] =	sst s3  }
0xc: {  	[smem:$0x3FB2] =	sst s4  }
0xd: {  	[smem:$0x3FB3] =	sst s5  }
0xe: {  	[smem:$0x3FB4] =	sst s6  }
0xf: {  	[smem:$0x3FB5] =	sst s7  }
0x10: {  	[smem:$0x3FB6] =	sst s8  }
0x11: {  	[smem:$0x3FB7] =	sst s9;
	s0 =	simm.s32 @!p0 $0x0  }
0x12: {  	s1 =	sld [smem:$0x3F9D];
	s0 =	simm.s32 @p0 $0x1  }
0x13: {  	[smem:$0x3FB8] =	sst s0;
	s0 =	simm.s32 @!p1 $0x0  }
0x14: {  	s2 =	sld [smem:$0x3F9C];
	s0 =	simm.s32 @p1 $0x1  }
0x15: {  	[smem:$0x3FB9] =	sst s0;
	s0 =	simm.s32 @!p2 $0x0  }
0x16: {  	s3 =	sld [smem:$0x3FDB];
	s0 =	simm.s32 @p2 $0x1  }
0x17: {  	s4 =	simm.s32 $0x1BF5;
	[smem:$0x3FBB] =	sst s0  }
0x18: {  	s0 =	sld [smem:$0x3F9E];
	_ =	swait.ge [sflag:s4], $0x0  }
0x19: {  	s7 =	sld [smem:$0x3F9F]  }
0x1a: {  	s8 =	sadd.s32 $0xFFFFE003, lr  }
0x1b: {  	s9 =	sadd.s32 $0xFFFFFEF7, lr;
	s5 =	simm.s32 $0xFFFFFFFF;
	p2 =	slt.u32 s8, $0xFFFFF086  }
0x1c: {  	p1 =	slt.u32 s9, $0xF7A;
	s5 =	simm.s32 @!p2 $0x0  }
0x1d: {  	s5 =	simm.s32 @p1 $0x1;
	p0 =	seq.s32 s7, s2  }
0x1e: {  	s7 =	smul.u32 @!p0 $0xF7A, s2;
	p2 =	seq.s32 @!p0 s5, $0x0  }
0x1f: {  	s9 =	smul.u32 $0xF7A, s1;
	s8 =	simm.s32 @!p0 $0x1BF5;
	p2 =	por !p2, p0  }
0x20: {  	[sflag:s8] =	ssyncset.s32 @!p0 $0xFFFFF086;
	s6 =	sadd.s32 @!p0 s3, s7;
	s7 =	simm.s32 @!p0 $0x108  }
0x21: {  	s3 =	sadd.s32 s3, s9;
	s6 =	sadd.s32 @!p0 $0x88, s6;
	s7 =	simm.s32 @p2 $0x1082  }
0x22: {  	[simem:s7], [sflag:s8] =	dma.local @!p0 [hbm:s6], $0xF7A  }
0x23: {  	s9 =	sor.u32 $0xD0000000, s2;
	s6 =	simm.s32 $0x108;
	_ =	swait.ge @!p0 [sflag:s8], $0x0  }
0x24: {  	s3 =	sadd.s32 $0x88, s3;
	s6 =	simm.s32 @!p1 $0x1082;
	[sflag:s4] =	ssyncset.s32 $0xFFFFF086  }
0x25: {  	[simem:s6], [sflag:s4] =	dma.local [hbm:s3], $0xF7A  }
0x26: {  	[smem:$0x3F9F] =	sst s1;
	(tag) =	ssettag s2;
	_ =	strace s9  }
0x27: {  	s1 =	sld [smem:$0x3FAF]  }
0x28: {  	s2 =	sld [smem:$0x3FB0]  }
0x29: {  	s4 =	sld [smem:$0x3FB2]  }
0x2a: {  	p0 =	seq.s32 s5, $0x0;
	s5 =	sld [smem:$0x3FB3]  }
0x2b: {  	s6 =	sld [smem:$0x3FB4]  }
0x2c: {  	s7 =	sld [smem:$0x3FB5]  }
0x2d: {  	s3 =	simm.s32 $0x108;
	s8 =	sld [smem:$0x3FB6]  }
0x2e: {  	s3 =	simm.s32 @!p0 $0x1082;
	s9 =	sld [smem:$0x3FB7]  }
0x2f: {  	lr =	sadd.s32 s0, s3;
	s0 =	sld [smem:$0x3FAE]  }
0x30: {  	s3 =	sld [smem:$0x3FB1]  }
0x31: {  	[smem:$0x3FBA] =	sst s10  }
0x32: {  	s10 =	sld [smem:$0x3FB8];
	_ =	sdelay $0x3  }
0x33: {  	p0 =	seq.s32 s10, $0x1;
	s10 =	sld [smem:$0x3FBA];
	_ =	sdelay $0x3  }
0x34: {  	[smem:$0x3FBA] =	sst s10  }
0x35: {  	s10 =	sld [smem:$0x3FB9];
	_ =	sdelay $0x3  }
0x36: {  	p1 =	seq.s32 s10, $0x1;
	s10 =	sld [smem:$0x3FBA];
	_ =	sdelay $0x3  }
0x37: {  	[smem:$0x3FBA] =	sst s10  }
0x38: {  	s10 =	sld [smem:$0x3FBB]  }
0x39: {  	_ = 	snop;
	(pc) =	sbr.ind lr, $3  }
0x3a: {  	_ = 	snop  }
0x3b: {  	_ = 	snop  }
0x3c: {  	p2 =	seq.s32 s10, $0x1;
	s10 =	sld [smem:$0x3FBA]  }
0x3d: {  	_ =	shalt  }
0x3e: {  	_ =	shalt  }
0x3f: {  	_ =	shalt  }
0x40: {  	_ =	shalt  }
0x41: {  	_ =	shalt  }
0x42: {  	_ =	shalt  }
0x43: {  	_ =	shalt  }
0x44: {  	_ =	shalt  }
0x45: {  	_ =	shalt  }
0x46: {  	_ =	shalt  }
0x47: {  	_ =	shalt  }
0x48: {  	_ =	shalt  }
0x49: {  	_ =	shalt  }
0x4a: {  	_ =	shalt  }
0x4b: {  	_ =	shalt  }
0x4c: {  	_ =	shalt  }
0x4d: {  	_ =	shalt  }
0x4e: {  	_ =	shalt  }
0x4f: {  	_ =	shalt  }
0x50: {  	_ =	shalt  }
0x51: {  	_ =	shalt  }
0x52: {  	_ =	shalt  }
0x53: {  	_ =	shalt  }
0x54: {  	_ =	shalt  }
0x55: {  	_ =	shalt  }
0x56: {  	_ =	shalt  }
0x57: {  	_ =	shalt  }
0x58: {  	_ =	shalt  }
0x59: {  	_ =	shalt  }
0x5a: {  	_ =	shalt  }
0x5b: {  	_ =	shalt  }
0x5c: {  	_ =	shalt  }
0x5d: {  	_ =	shalt  }
0x5e: {  	_ =	shalt  }
0x5f: {  	_ =	shalt  }
0x60: {  	_ =	shalt  }
0x61: {  	_ =	shalt  }
0x62: {  	_ =	shalt  }
0x63: {  	_ =	shalt  }
0x64: {  	_ =	shalt  }
0x65: {  	_ =	shalt  }
0x66: {  	_ =	shalt  }
0x67: {  	_ =	shalt  }
0x68: {  	_ =	shalt  }
0x69: {  	_ =	shalt  }
0x6a: {  	_ =	shalt  }
0x6b: {  	_ =	shalt  }
0x6c: {  	_ =	shalt  }
0x6d: {  	_ =	shalt  }
0x6e: {  	_ =	shalt  }
0x6f: {  	_ =	shalt  }
0x70: {  	_ =	shalt  }
0x71: {  	_ =	shalt  }
0x72: {  	_ =	shalt  }
0x73: {  	_ =	shalt  }
0x74: {  	_ =	shalt  }
0x75: {  	_ =	shalt  }
0x76: {  	_ =	shalt  }
0x77: {  	_ =	shalt  }
0x78: {  	_ =	shalt  }
0x79: {  	_ =	shalt  }
0x7a: {  	_ =	shalt  }
0x7b: {  	_ =	shalt  }
0x7c: {  	_ =	shalt  }
0x7d: {  	_ =	shalt  }
0x7e: {  	_ =	shalt  }
0x7f: {  	_ =	shalt  }
0x80: {  	_ =	shalt  }
0x81: {  	_ =	shalt  }
0x82: {  	_ =	shalt  }
0x83: {  	_ =	shalt  }
0x84: {  	_ =	shalt  }
0x85: {  	_ =	shalt  }
0x86: {  	_ =	shalt  }
0x87: {  	_ =	shalt  }
.Lfunc_end0:
.L_simem_size_0:
called_computation_lowered:
.L_overlay_start_0:
0x88: {  	s2 =	sld [smem:$0x3FD9]  }
0x89: {  	s3 =	sld [smem:$0x3FFE];
	_ =	sdelay $0x1  }
0x8a: {  	s1 =	srdreg.scid  }
0x8b: {  	s0 =	sand.u32 $0x1, s1  }
0x8c: {  	s14 =	sshll.u32 s0, $0xA;
	s2 =	sadd.s32 s3, s2  }
0x8d: {  	s2 =	sadd.s32 s2, s14  }
0x8e: {  	[smem:$0x3FC6] =	sst s2  }
0x8f: {  	_ = 	snop  }
0x90: {  	s2 =	sld [smem:$0x3FD0];
	_ =	sdelay $0x2  }
0x91: {  	s15 =	simm.s32 $0xA;
	s4 =	simm.s32 $0x10  }
0x92: {  	[smem:s4], [sflag:s15] =	dma.local [hbm:s2], $0x1  }
0x93: {  	_ =	swait.eq [sflag:s15], $0x1  }
0x94: {  	[sflag:s15] =	ssyncset.done $0x0  }
0x95: {  	s16 =	sld [smem:$0x10];
	[sflag:s15] =	ssyncadd.s32 $0xFFFFFFFF  }
0x96: {  	s17 =	sld [smem:$0x11];
	(tm) =	ssettm $0x1  }
0x97: {  	s18 =	sld [smem:$0x3FFB];
	_ =	sdelay $0x3  }
0x98: {  	_ =	strace s18  }
0x99: {  	s4 =	sld [smem:$0x3FFC];
	_ =	sdelay $0x3  }
0x9a: {  	_ =	strace s4  }
0x9b: {  	s4 =	sld [smem:$0x3FFD];
	_ =	sdelay $0x3  }
0x9c: {  	_ =	strace s4  }
0x9d: {  	_ =	strace $0x8FFFFFFF  }
0x9e: {  	s19 =	sld [smem:$0x3FDB];
	_ =	sdelay $0x1  }
0x9f: {  	s5 =	simm.s32 $_scs_section_size  }
0xa0: {  	s6 =	simm.s32 $_size__tile_overlayer_lowered;
	s7 =	simm.s32 $_tile_overlayer_lowered  }
0xa1: {  	s22 =	simm.s32 $0x1BFF;
	s21 =	sshll.u32 s7, $0x1;
	s4 =	sadd.s32 s5, s19  }
0xa2: {  	s8 =	simm.s32 $0x0;
	s20 =	sshll.u32 s6, $0x1;
	s6 =	sadd.s32 s21, s4  }
0xa3: {  	[timem:s8], [sflag:s22] =	dma.local [hbm:s6], s20  }
0xa4: {  	_ =	swait.ge [sflag:s22], s20  }
0xa5: {  	s5 =	ssub.s32 $0x0, s20;
	[sflag:s22] =	ssyncset.done $0x0  }
0xa6: {  	[sflag:s22] =	ssyncadd.s32 s5;
	_ =	sdelay $0x1  }
0xa7: {  	s23 =	simm.s32 $0x1B8B  }
0xa8: {  	_ =	swait.ge [sflag:s23], $0x1  }
0xa9: {  	[sflag:s23] =	ssyncset.done $0x0  }
0xaa: {  	s25 =	simm.s32 $0x1B8E;
	s24 =	sld [smem:$0x3FFE];
	[sflag:s23] =	ssyncadd.s32 $0xFFFFFFFF  }
0xab: {  	s26 =	simm.s32 $execute0_lowered;
	[smem:$0x3FD2] =	sst s25  }
0xac: {  	s6 =	sshll.u32 s26, $0x1;
	_ =	strace $0x80000046;
	[dreg:$0x1] =	wrdreg $0xFFFFFFFF  }
0xad: {  	s28 =	simm.s32 $_size_execute0_lowered;
	s4 =	sadd.s32 s4, s6;
	[dreg:$0x0] =	wrdreg $0x0  }
0xae: {  	s6 =	sshll.u32 s28, $0x1;
	[dreg:$0x2] =	wrdreg s4  }
0xaf: {  	[dreg:$0x3] =	wrdreg s6  }
0xb0: {  	[dreg:$0x4] =	wrdreg $0xC0  }
0xb1: {  	_ =	task [dreg:s8], $0x5FFFF  }
0xb2: {  	[dreg:$0x1] =	wrdreg $0xFFFFFFFF  }
0xb3: {  	[dreg:$0x0] =	wrdreg $0x60  }
0xb4: {  	[dreg:$0x2] =	wrdreg s24  }
0xb5: {  	[dreg:$0x3] =	wrdreg s16  }
0xb6: {  	[dreg:$0x4] =	wrdreg s17  }
0xb7: {  	[dreg:$0x5] =	wrdreg $0x9  }
0xb8: {  	_ =	task.clear_ibuf [dreg:s8], $0x6FFFF;
	_ =	strace $0x90000046  }
0xb9: {  	s29 =	simm.s32 $0x9;
	_ =	strace $0x80000048  }
0xba: {  	_ =	swait.ge [sflag:s29], $0x1  }
0xbb: {  	[sflag:s29] =	ssyncadd.s32 $0xFFFFFFFF  }
0xbc: {  	_ =	strace $0x90000048  }
0xbd: {  	_ =	sfence  }
0xbe: {  	s30 =	sld [smem:$0x0];
	_ =	sdelay $0x2  }
0xbf: {  	s31 =	sshll.u32 s1, $0xD;
	s1 =	sshrl.u32 s1, $0x2  }
0xc0: {  	s3 =	sand.u32 $0x4000, s31;
	s1 =	sadd.s32 s1, s30  }
0xc1: {  	s0 =	sor.u32 s3, s0;
	s1 =	sshll.u32 s1, $0x11  }
0xc2: {  	s0 =	sor.u32 s1, s0  }
0xc3: {  	s0 =	sadd.s32 $0x8F2B, s0  }
0xc4: {  	[sflag:s0] =	ssyncadd.remote.s32 $0x1  }
0xc5: {  	_ =	sfence.sel $0xFFFF  }
0xc6: {  	[dreg:$0x0] =	wrdreg $0xFFFFFFFF;
	(pc) =	sbr.abs _section_cstart, $3  }
0xc7: {  	[dreg:$0x1] =	wrdreg $0xFFFFFFFF  }
0xc8: {  	_ =	task.clear_ibuf [dreg:s8], $0x2FFFF;
	_ =	strace $0x9FFFFFFF  }
0xc9: {  	(tm) =	ssettm $0x7FFFFFFF  }
tec
execute0_lowered:
.L_overlay_start_1:
0x0: {  	(tag) =	ssettag $0x1  }
0x1: {  	s0 =	rddreg [dreg:$0x0]  }
0x2: {  	s1 =	rddreg [dreg:$0x1];
	s2 =	srdreg.scid  }
0x3: {  	s14 =	rddreg [dreg:$0x2];
	s3 =	stileid.u32;
	s5 =	simm.s32 $0x0  }
0x4: {  	s16 =	simm.s32 $0x80;
	s17 =	simm.s32 $0x400;
	s20 =	simm.s32 $0x1000  }
0x5: {  	s21 =	simm.s32 $0x1400;
	s22 =	simm.s32 $0x1800;
	s23 =	simm.s32 $0x1C00  }
0x6: {  	s24 =	simm.s32 $0x1;
	s28 =	simm.s32 $0x2400;
	s29 =	simm.s32 $0x2800  }
0x7: {  	s30 =	simm.s32 $0x2C00;
	s31 =	simm.s32 $0x2;
	s2 =	sand.u32 $0x1, s2  }
0x8: {  	s3 =	sshll.u32 s3, $0xB;
	s4 =	sshll.u32 s2, $0xA;
	s2 =	ssub.s32 $0x2, s2  }
0x9: {  	[smem:$0x7FF] =	sst s5;
	s9 =	sor.u32 s4, s3;
	s25 =	sshrl.u32 s2, $0x1  }
0xa: {  	_ =	strace $0x80000047;
	s0 =	sadd.s32 s9, s0;
	s2 =	ssub.s32 s2, s25  }
0xb: {  	s13 =	sshrl.u32 s9, $0x2;
	s25 =	simm.s32 $0x100;
	s3 =	sadd.s32 $0xA00, s0  }
0xc: {  	s4 =	sadd.s32 $0xA10, s0;
	s5 =	sadd.s32 $0xA20, s0;
	s6 =	sadd.s32 $0xA30, s0  }
0xd: {  	s7 =	sadd.s32 $0xA40, s0;
	s8 =	sadd.s32 $0xA50, s0;
	s9 =	sadd.s32 $0xA60, s0  }
0xe: {  	s10 =	sadd.s32 $0xA70, s0;
	s26 =	sor.u32 $0x10, s13;
	s11 =	sadd.s32 s1, s13  }
0xf: {  	s13 =	sadd.s32 s14, s13;
	s15 =	smax.u32 s2, $0x1;
	s0 =	simm.s32 $0x0  }
0x10: {  	v0 =	vimm.s32 $0x8;
	v1 =	vimm.s32 $0x0;
	s12 =	sadd.s32 s1, s26;
	s14 =	sadd.s32 s14, s26;
	s26 =	simm.s32 $0x2000  }
.LBB2_1:
0x11: {  	s1 =	simm.s32 $0x0  }
0x12: {  	[tilespmem:s1], [sflag:$0x1] =	stream.strided.gather [hbm4b:s3+s16], $0x400, s17, s16, $0x38;
	[tilespmem:$0x3000] =	vst v63  }
0x13: {  	_ = 	snop  }
0x14: {  	[tilespmem:s17], [sflag:$0x1] =	stream.strided.gather [hbm4b:s4+s16], $0x400, s17, s16, $0x38;
	[tilespmem:$0x3000] =	vst v63  }
0x15: {  	s18 =	simm.s32 $0x800  }
0x16: {  	[tilespmem:s18], [sflag:$0x1] =	stream.strided.gather [hbm4b:s5+s16], $0x400, s17, s16, $0x38;
	[tilespmem:$0x3000] =	vst v63  }
0x17: {  	s19 =	simm.s32 $0xC00  }
0x18: {  	[tilespmem:s19], [sflag:$0x1] =	stream.strided.gather [hbm4b:s6+s16], $0x400, s17, s16, $0x38;
	[tilespmem:$0x3000] =	vst v63  }
0x19: {  	_ = 	snop  }
0x1a: {  	[tilespmem:s20], [sflag:$0x1] =	stream.strided.gather [hbm4b:s7+s16], $0x400, s17, s16, $0x38;
	[tilespmem:$0x3000] =	vst v63  }
0x1b: {  	_ = 	snop  }
0x1c: {  	[tilespmem:s21], [sflag:$0x1] =	stream.strided.gather [hbm4b:s8+s16], $0x400, s17, s16, $0x38;
	[tilespmem:$0x3000] =	vst v63  }
0x1d: {  	_ = 	snop  }
0x1e: {  	[tilespmem:s22], [sflag:$0x1] =	stream.strided.gather [hbm4b:s9+s16], $0x400, s17, s16, $0x38;
	[tilespmem:$0x3000] =	vst v63  }
0x1f: {  	_ = 	snop  }
0x20: {  	[tilespmem:s23], [sflag:$0x1] =	stream.strided.gather [hbm4b:s10+s16], $0x400, s17, s16, $0x38;
	[tilespmem:$0x3000] =	vst v63  }
0x21: {  	_ =	swait.ge [sflag:s24], $0x400  }
0x22: {  	[sflag:s24] =	ssyncset.done $0x0  }
0x23: {  	[sflag:s24] =	ssyncadd.s32 $0xFFFFFC00  }
0x24: {  	_ =	swait.ge [sflag:s24], $0x400  }
0x25: {  	[sflag:s24] =	ssyncset.done $0x0  }
0x26: {  	[sflag:s24] =	ssyncadd.s32 $0xFFFFFC00  }
0x27: {  	_ =	swait.ge [sflag:s24], $0x400  }
0x28: {  	[sflag:s24] =	ssyncset.done $0x0  }
0x29: {  	[sflag:s24] =	ssyncadd.s32 $0xFFFFFC00  }
0x2a: {  	_ =	swait.ge [sflag:s24], $0x400  }
0x2b: {  	[sflag:s24] =	ssyncset.done $0x0  }
0x2c: {  	[sflag:s24] =	ssyncadd.s32 $0xFFFFFC00  }
0x2d: {  	_ =	swait.ge [sflag:s24], $0x400  }
0x2e: {  	[sflag:s24] =	ssyncset.done $0x0  }
0x2f: {  	[sflag:s24] =	ssyncadd.s32 $0xFFFFFC00  }
0x30: {  	_ =	swait.ge [sflag:s24], $0x400  }
0x31: {  	[sflag:s24] =	ssyncset.done $0x0  }
0x32: {  	[sflag:s24] =	ssyncadd.s32 $0xFFFFFC00  }
0x33: {  	_ =	swait.ge [sflag:s24], $0x400  }
0x34: {  	[sflag:s24] =	ssyncset.done $0x0  }
0x35: {  	[sflag:s24] =	ssyncadd.s32 $0xFFFFFC00  }
0x36: {  	_ =	swait.ge [sflag:s24], $0x400  }
0x37: {  	[sflag:s24] =	ssyncset.done $0x0  }
0x38: {  	s2 =	simm.s32 $0x0;
	[sflag:s24] =	ssyncadd.s32 $0xFFFFFC00  }
0x39: {  	v3 =	vld [tilespmem:s2+$0x400]  }
0x3a: {  	v4 =	vld [tilespmem:s2+$0x0];
	_ =	sdelay $0x1  }
0x3b: {  	v5 =	vld [tilespmem:s2+$0x800];
	_ =	sdelay $0x1  }
0x3c: {  	vm1 =	vgt.f32 v3, $-1.000000000e+00  }
0x3d: {  	v6 =	vld [tilespmem:s2+$0xC00];
	vm2 =	vgt.f32 v3, v4;
	v7 =	vnsel vm1, $0xBF800000, v3  }
0x3e: {  	v7 =	vsel vm2, v4, v7  }
0x3f: {  	v3 =	vsel vm2, v3, v4;
	vm3 =	vgt.f32 v5, v7  }
0x40: {  	v8 =	vld [tilespmem:s2+$0x1000];
	vm4 =	vgt.f32 v5, v3;
	v4 =	vsel vm3, v5, v7  }
0x41: {  	s1 =	simm.s32 $0x10;
	vm1 =	vmmov vm1;
	v9 =	vsel vm2, $0x1, v1;
	v7 =	vsel vm4, v3, v4  }
0x42: {  	v2 =	vld [tilespmem:s1+$0x400];
	v3 =	vsel vm4, v5, v3;
	v5 =	vsel vm1, $0x1, v0;
	vm5 =	vgt.f32 v6, v7  }
0x43: {  	v4 =	vld [tilespmem:s2+$0x1400];
	vm6 =	vgt.f32 v6, v3;
	v5 =	vsel vm2, $0x0, v5;
	v7 =	vsel vm5, v6, v7  }
0x44: {  	v10 =	vsel vm4, $0x2, v9;
	v5 =	vsel vm3, $0x2, v5;
	v7 =	vsel vm6, v3, v7  }
0x45: {  	v3 =	vsel vm6, v6, v3;
	v5 =	vsel vm4, v9, v5;
	vm2 =	vgt.f32 v8, v7  }
0x46: {  	vm1 =	vgt.f32 v8, v3;
	v9 =	vsel vm5, $0x3, v5;
	v5 =	vld [tilespmem:s2+$0x1800];
	v6 =	vsel vm2, v8, v7  }
0x47: {  	vm0 =	vgt.f32 v2, $-1.000000000e+00;
	v7 =	vsel vm6, $0x3, v10;
	v11 =	vsel vm1, v3, v6  }
0x48: {  	v9 =	vsel vm6, v10, v9;
	v6 =	vsel vm1, v8, v3;
	vm3 =	vgt.f32 v4, v11  }
0x49: {  	s18 =	simm.s32 $0x80;
	v3 =	vld [tilespmem:s2+$0x1C00];
	v8 =	vsel vm2, $0x4, v9;
	vm2 =	vgt.f32 v4, v6;
	v9 =	vsel vm3, v4, v11  }
.LBB2_2:
0x4a: {  	p0 =	sne.s32 s18, $0xFC0;
	v8 =	vsel vm1, v7, v8;
	v7 =	vsel vm1, $0x4, v7;
	v9 =	vsel vm2, v6, v9  }
0x4b: {  	v4 =	vsel vm2, v4, v6;
	v10 =	vld [tilespmem:s1+$0x0];
	v8 =	vsel vm3, $0x5, v8;
	vm1 =	vgt.f32 v5, v9  }
0x4c: {  	vm3 =	vgt.f32 v5, v4;
	v6 =	vsel vm2, v7, v8;
	v8 =	vsel vm1, v5, v9  }
0x4d: {  	v7 =	vsel vm2, $0x5, v7;
	v9 =	vld [tilespmem:s1+$0x800];
	v8 =	vsel vm3, v4, v8;
	v6 =	vsel vm1, $0x6, v6  }
0x4e: {  	s19 =	sshra.s32 s18, $0x2;
	v4 =	vsel vm3, v5, v4;
	v6 =	vsel vm3, v7, v6;
	vm2 =	vgt.f32 v3, v8  }
0x4f: {  	v7 =	vsel vm3, $0x6, v7;
	vm3 =	vgt.f32 v3, v4;
	v5 =	vld [tilespmem:s19+$0x400];
	v6 =	vsel vm2, $0x7, v6  }
0x50: {  	v12 =	vnsel vm0, $0xBF800000, v2;
	v11 =	vld [tilespmem:s1+$0xC00];
	vm1 =	vgt.f32 v2, v10;
	v6 =	vsel vm3, v7, v6  }
0x51: {  	v8 =	vsel vm2, v3, v8;
	v3 =	vsel vm3, v3, v4;
	v12 =	vsel vm1, v10, v12;
	[tilespmem:s2+$0x2C00] =	vst v6  }
0x52: {  	v6 =	vsel vm1, v2, v10;
	v10 =	vsel vm3, v4, v8;
	vm2 =	vgt.f32 v9, v12;
	[tilespmem:s2+$0x2000] =	vst v3  }
0x53: {  	v7 =	vsel vm3, $0x7, v7;
	vm4 =	vgt.f32 v9, v6;
	v3 =	vld [tilespmem:s1+$0x1000];
	v4 =	vsel vm2, v9, v12;
	[tilespmem:s2+$0x2400] =	vst v10  }
0x54: {  	vm3 =	vmmov vm0;
	v8 =	vsel vm4, v6, v4;
	[tilespmem:s2+$0x2800] =	vst v7;
	v2 =	vmovc v5;
	vm0 =	vgt.f32 v5, $-1.000000000e+00;
	s2 =	smov.u32 s1;
	s1 =	smov.u32 s19  }
0x55: {  	v7 =	vsel vm1, $0x1, v1;
	v5 =	vsel vm4, v9, v6;
	vm5 =	vgt.f32 v11, v8  }
0x56: {  	v6 =	vsel vm3, $0x1, v0;
	vm3 =	vgt.f32 v11, v5;
	v4 =	vld [tilespmem:s2+$0x1400];
	v8 =	vsel vm5, v11, v8  }
0x57: {  	v6 =	vsel vm1, $0x0, v6;
	v9 =	vsel vm4, $0x2, v7;
	v8 =	vsel vm3, v5, v8  }
.Ltmp0:
0x58: {  	v6 =	vsel vm2, $0x2, v6;
	v10 =	vsel vm3, v11, v5;
	vm2 =	vgt.f32 v3, v8;
	(pc) =	sbr.rel @p0 .LBB2_2-.Ltmp0, $4  }
0x59: {  	v6 =	vsel vm4, v7, v6;
	vm1 =	vgt.f32 v3, v10;
	v5 =	vld [tilespmem:s2+$0x1800];
	v8 =	vsel vm2, v3, v8  }
0x5a: {  	v7 =	vsel vm3, $0x3, v9;
	v6 =	vsel vm5, $0x3, v6;
	v11 =	vsel vm1, v10, v8  }
0x5b: {  	v8 =	vsel vm3, v9, v6;
	v6 =	vsel vm1, v3, v10;
	vm3 =	vgt.f32 v4, v11  }
0x5c: {  	s18 =	sadd.s32 $0x40, s18;
	v8 =	vsel vm2, $0x4, v8;
	vm2 =	vgt.f32 v4, v6;
	v3 =	vld [tilespmem:s2+$0x1C00];
	v9 =	vsel vm3, v4, v11  }
0x5d: {  	v8 =	vsel vm1, v7, v8;
	v47 =	vsel vm1, $0x4, v7;
	v9 =	vsel vm2, v6, v9  }
0x5e: {  	v10 =	vld [tilespmem:s1+$0x0];
	v4 =	vsel vm2, v4, v6;
	v11 =	vnsel vm0, $0xBF800000, v2;
	v8 =	vsel vm3, $0x5, v8  }
0x5f: {  	vm10 =	vgt.f32 v5, v9;
	vm11 =	vgt.f32 v5, v4;
	v7 =	vsel vm2, $0x5, v47  }
0x60: {  	v50 =	vld [tilespmem:s1+$0x800];
	v48 =	vsel vm2, v47, v8;
	v49 =	vsel vm10, v5, v9;
	v51 =	vsel vm11, $0x6, v7  }
0x61: {  	v8 =	vsel vm11, v4, v49;
	v6 =	vsel vm10, $0x6, v48;
	v4 =	vsel vm11, v5, v4  }
0x62: {  	v6 =	vsel vm11, v7, v6;
	vm12 =	vgt.f32 v3, v8;
	vm13 =	vgt.f32 v3, v4  }
0x63: {  	v52 =	vld [tilespmem:s1+$0xC00];
	v6 =	vsel vm12, $0x7, v6;
	vm14 =	vgt.f32 v2, v10;
	v53 =	vsel vm13, v3, v4  }
0x64: {  	vm5 =	vmmov vm0;
	v6 =	vsel vm13, v51, v6;
	v11 =	vsel vm14, v10, v11;
	[tilespmem:s2+$0x2000] =	vst v53  }
0x65: {  	v3 =	vsel vm12, v3, v8;
	v2 =	vsel vm14, v2, v10;
	[tilespmem:s2+$0x2C00] =	vst v6;
	vm15 =	vgt.f32 v50, v11  }
0x66: {  	v3 =	vsel vm13, v4, v3;
	vm4 =	vgt.f32 v50, v2;
	v54 =	vld [tilespmem:s1+$0x1000];
	v55 =	vsel vm15, v50, v11  }
0x67: {  	v58 =	vsel vm5, $0x1, v0;
	v5 =	vsel vm13, $0x7, v51;
	[tilespmem:s2+$0x2400] =	vst v3;
	v3 =	vsel vm4, v2, v55  }
0x68: {  	v56 =	vsel vm14, $0x1, v1;
	[tilespmem:s2+$0x2800] =	vst v5;
	v2 =	vsel vm4, v50, v2;
	vm6 =	vgt.f32 v52, v3  }
0x69: {  	v8 =	vsel vm14, $0x0, v58;
	v57 =	vld [tilespmem:s1+$0x1400];
	vm7 =	vgt.f32 v52, v2;
	v3 =	vsel vm6, v52, v3  }
0x6a: {  	v59 =	vsel vm4, $0x2, v56;
	v8 =	vsel vm15, $0x2, v8;
	v3 =	vsel vm7, v2, v3  }
0x6b: {  	v5 =	vsel vm4, v56, v8;
	v2 =	vsel vm7, v52, v2;
	vm8 =	vgt.f32 v54, v3  }
0x6c: {  	v60 =	vld [tilespmem:s1+$0x1800];
	v5 =	vsel vm6, $0x3, v5;
	vm9 =	vgt.f32 v54, v2;
	v3 =	vsel vm8, v54, v3  }
0x6d: {  	v61 =	vsel vm7, $0x3, v59;
	v5 =	vsel vm7, v59, v5;
	v3 =	vsel vm9, v2, v3  }
0x6e: {  	v5 =	vsel vm8, $0x4, v5;
	v2 =	vsel vm9, v54, v2;
	vm10 =	vgt.f32 v57, v3  }
0x6f: {  	v62 =	vld [tilespmem:s1+$0x1C00];
	v5 =	vsel vm9, v61, v5;
	vm11 =	vgt.f32 v57, v2;
	v3 =	vsel vm10, v57, v3  }
0x70: {  	v8 =	vsel vm9, $0x4, v61;
	v5 =	vsel vm10, $0x5, v5;
	v3 =	vsel vm11, v2, v3  }
0x71: {  	v63 =	vsel vm11, $0x5, v8;
	v2 =	vsel vm11, v57, v2;
	vm12 =	vgt.f32 v60, v3  }
0x72: {  	v5 =	vsel vm11, v8, v5;
	vm13 =	vgt.f32 v60, v2;
	v3 =	vsel vm12, v60, v3  }
0x73: {  	v5 =	vsel vm12, $0x6, v5;
	v3 =	vsel vm13, v2, v3;
	v2 =	vsel vm13, v60, v2  }
0x74: {  	v5 =	vsel vm13, v63, v5;
	vm14 =	vgt.f32 v62, v3;
	vm15 =	vgt.f32 v62, v2  }
0x75: {  	v6 =	vsel vm13, $0x6, v63;
	v5 =	vsel vm14, $0x7, v5;
	v4 =	vsel vm15, v62, v2  }
0x76: {  	v3 =	vsel vm14, v62, v3;
	v5 =	vsel vm15, v6, v5;
	[tilespmem:s1+$0x2000] =	vst v4  }
0x77: {  	v2 =	vsel vm15, v2, v3;
	[tilespmem:s1+$0x2C00] =	vst v5  }
0x78: {  	v3 =	vsel vm15, $0x7, v6;
	[tilespmem:s1+$0x2400] =	vst v2  }
0x79: {  	[tilespmem:s1+$0x2800] =	vst v3  }
0x7a: {  	[hbm4b:s11+s16] =	stream.strided.scatter [tilespmem:s26], [sflag:$0x2], $0x400, s25, s16, $0x38;
	[tilespmem:$0x3000] =	vst v63  }
0x7b: {  	_ = 	snop  }
0x7c: {  	[hbm4b:s12+s16] =	stream.strided.scatter [tilespmem:s28], [sflag:$0x2], $0x400, s25, s16, $0x38;
	[tilespmem:$0x3000] =	vst v63  }
0x7d: {  	_ = 	snop  }
0x7e: {  	[hbm4b:s13+s16] =	stream.strided.scatter [tilespmem:s29], [sflag:$0x2], $0x400, s25, s16, $0x38;
	[tilespmem:$0x3000] =	vst v63  }
0x7f: {  	_ = 	snop  }
0x80: {  	[hbm4b:s14+s16] =	stream.strided.scatter [tilespmem:s30], [sflag:$0x2], $0x400, s25, s16, $0x38;
	[tilespmem:$0x3000] =	vst v63  }
0x81: {  	_ =	swait.ge [sflag:s31], $0x400  }
0x82: {  	[sflag:s31] =	ssyncset.done $0x0  }
0x83: {  	[sflag:s31] =	ssyncadd.s32 $0xFFFFFC00  }
0x84: {  	_ =	swait.ge [sflag:s31], $0x400  }
0x85: {  	[sflag:s31] =	ssyncset.done $0x0  }
0x86: {  	s0 =	sadd.s32 $0x1, s0;
	[sflag:s31] =	ssyncadd.s32 $0xFFFFFC00  }
0x87: {  	p0 =	sne.s32 s0, s15;
	_ =	swait.ge [sflag:s31], $0x400  }
.Ltmp1:
0x88: {  	[sflag:s31] =	ssyncset.done $0x0;
	(pc) =	sbr.rel @p0 .LBB2_1-.Ltmp1, $4  }
0x89: {  	[sflag:s31] =	ssyncadd.s32 $0xFFFFFC00  }
0x8a: {  	_ =	swait.ge [sflag:s31], $0x400  }
0x8b: {  	[sflag:s31] =	ssyncset.done $0x0  }
0x8c: {  	[sflag:s31] =	ssyncadd.s32 $0xFFFFFC00  }
0x8d: {  	_ =	sfence.sel $0x180000  }
0x8e: {  	[bflag:$0x0] =	sbarrier.arrive $0xFFFF  }
0x8f: {  	_ =	strace $0x90000047  }
0x90: {  	s0 =	stileid.u32;
	[bflag:$0x2] =	sbarrier.arrive $0xFFFF  }
0x91: {  	p0 =	sne.s32 s0, $0x0;
	s0 =	rddreg [dreg:$0x3]  }
0x92: {  	s0 =	sadd.s32 @!p0 $0x100000, s0  }
0x93: {  	[sflag:s0] =	ssyncadd.tile.s32 @!p0 $0x1;
	_ =	shalt  }
.Lfunc_end2:
_tile_overlayer_lowered:
.L_overlay_start_2:
0x94: {  	(tag) =	ssettag $0x2  }
0x95: {  	s0 =	rddreg [dreg:$0x0];
	s2 =	stileid.u32  }
0x96: {  	s1 =	rddreg [dreg:$0x1];
	p0 =	sne.s32 s2, $0x0  }
0x97: {  	s3 =	rddreg [dreg:$0x2];
	[bflag:$0x3] =	sbarrier.arrive $0xFFFF;
	s2 =	simm.s32 @!p0 $0x1C03  }
0x98: {  	[timem:s3], [sflag:s2] =	dma.local @!p0 [hbm:s0], s1  }
0x99: {  	s0 =	simm.s32 @!p0 $0x3  }
0x9a: {  	_ =	swait.ge @!p0 [sflag:s0], s1  }
0x9b: {  	s1 =	ssub.s32 @!p0 $0x0, s1;
	[sflag:s0] =	ssyncset.done @!p0 $0x0  }
0x9c: {  	[sflag:s0] =	ssyncadd.s32 @!p0 s1  }
0x9d: {  	[bflag:$0x3] =	sbarrier.arrive $0xFFFF  }
0x9e: {  	_ =	shalt  }

</sc_bundles>
